<compile_context>
chip_gen: v7x
topology: tpu7x:2x2x1
jax: 0.10.2.dev20260603
libtpu: 0.0.44.dev20260713+nightly
codegen_flags: <defaults>
</compile_context>

<pallas_src>
import functools

import jax
import jax.numpy as jnp
from jax.experimental import pallas as pl
from jax.experimental.pallas import tpu as pltpu

_TOPK = 3


def _body(qrr_ref, qii_ref, qcat_ref, pm_r_ref, pm_i_ref,
          WaG_ref, baG_ref, Wg_ref, bg_ref,
          gr_ref, br_ref, gi_ref, bi_ref,
          read_ref, next_ref, ent_ref, *, total_b):
    pm_r = pm_r_ref[...]
    pm_i = pm_i_ref[...]
    bB, SH, L = pm_r.shape
    S = 2 * SH
    D = L // 2

    lane = jax.lax.broadcasted_iota(jnp.int32, (1, 1, L), 2)
    lo = lane < D
    sgn = jnp.where(lo, 1.0, -1.0)

    qrr = qrr_ref[...][:, None, :]
    qii = qii_ref[...][:, None, :]

    p = pm_r * qrr + pm_i * qii
    f = jnp.sum(p, axis=-1)
    g = jnp.sum(p * sgn, axis=-1)
    se = (f + g) * 0.5
    so = (f - g) * 0.5
    sim = jnp.concatenate([se, so], axis=-1)
    sim = sim - jnp.max(sim, axis=-1, keepdims=True)
    es = jnp.exp(sim)
    attn = es / jnp.sum(es, axis=-1, keepdims=True)

    a_ev = attn[:, :SH][:, :, None]
    a_od = attn[:, SH:][:, :, None]
    A = jnp.where(lo, a_ev, a_od)
    rr = jnp.sum(A * pm_r, axis=1)
    ri = jnp.sum(A * pm_i, axis=1)
    read_ref[0] = rr[:, :D] + rr[:, D:]
    read_ref[1] = ri[:, :D] + ri[:, D:]

    qcat = qcat_ref[...]
    glogit = jnp.sum(qcat * Wg_ref[...], axis=-1, keepdims=True) + bg_ref[0, 0]
    gate = jax.nn.sigmoid(glogit)

    logits = jax.lax.dot_general(qcat, WaG_ref[...], (((1,), (0,)), ((), ())),
                                 preferred_element_type=jnp.float32)
    logits = logits + baG_ref[...]
    logits = logits - jnp.max(logits, axis=-1, keepdims=True)
    ew = jnp.exp(logits)
    w = ew / jnp.sum(ew, axis=-1, keepdims=True)

    ent_rows = -jnp.sum(w * jnp.log(w + 1e-10), axis=-1, keepdims=True)
    ent_part = jnp.sum(ent_rows) / (total_b * 8.0 * 128.0)
    ent_ref[...] = jnp.full((8, 128), ent_part, dtype=jnp.float32)

    iota = jax.lax.broadcasted_iota(jnp.int32, (bB, S), 1)
    remaining = w
    keep = jnp.zeros(w.shape, dtype=jnp.bool_)
    for _ in range(_TOPK):
        mx = jnp.max(remaining, axis=-1, keepdims=True)
        first = jnp.min(jnp.where(remaining == mx, iota, S), axis=-1,
                        keepdims=True)
        onehot = iota == first
        keep = jnp.logical_or(keep, onehot)
        remaining = jnp.where(onehot, -1.0, remaining)
    sparse = jnp.where(keep, w, 0.0)
    sparse = sparse / (jnp.sum(sparse, axis=-1, keepdims=True) + 1e-6)
    eff = gate * sparse

    e_ev = eff[:, :SH][:, :, None]
    e_od = eff[:, SH:][:, :, None]
    E = jnp.where(lo, e_ev, e_od)

    def update_norm(pm, qt, gam_ref, bet_ref):
        y = jnp.tanh(pm + E * (qt - pm))
        f2 = jnp.sum(y, axis=-1, keepdims=True)
        g2 = jnp.sum(y * sgn, axis=-1, keepdims=True)
        m_lo = (f2 + g2) * (0.5 / D)
        m_hi = (f2 - g2) * (0.5 / D)
        mub = jnp.where(lo, m_lo, m_hi)
        d = y - mub
        dd = d * d
        vf = jnp.sum(dd, axis=-1, keepdims=True)
        vg = jnp.sum(dd * sgn, axis=-1, keepdims=True)
        v_lo = (vf + vg) * (0.5 / D)
        v_hi = (vf - vg) * (0.5 / D)
        varb = jnp.where(lo, v_lo, v_hi)
        return (d * jax.lax.rsqrt(varb + 1e-6) * gam_ref[...][:, None, :]
                + bet_ref[...][:, None, :])

    next_ref[0] = update_norm(pm_r, qrr, gr_ref, br_ref)
    next_ref[1] = update_norm(pm_i, qii, gi_ref, bi_ref)


def kernel(gw_state_real, gw_state_imag, prev_mem_real, prev_mem_imag,
           Wg, bg, Wa, ba, gamma_r, beta_r, gamma_i, beta_i):
    B, S, D = prev_mem_real.shape
    SH, L = S // 2, 2 * D
    bB = 64
    grid = (B // bB,)

    pm2_r = prev_mem_real.reshape(B, SH, L)
    pm2_i = prev_mem_imag.reshape(B, SH, L)
    qrr = jnp.concatenate([gw_state_real, gw_state_real], axis=-1)
    qii = jnp.concatenate([gw_state_imag, gw_state_imag], axis=-1)
    qcat = jnp.concatenate([gw_state_real, gw_state_imag], axis=-1)
    WaG = jnp.concatenate([Wa[0::2], Wa[1::2]], axis=0).T
    baG = jnp.concatenate([ba[0::2], ba[1::2]]).reshape(1, S)
    bg2 = bg.reshape(1, 1)
    gr2 = jnp.concatenate([gamma_r, gamma_r]).reshape(1, L)
    br2 = jnp.concatenate([beta_r, beta_r]).reshape(1, L)
    gi2 = jnp.concatenate([gamma_i, gamma_i]).reshape(1, L)
    bi2 = jnp.concatenate([beta_i, beta_i]).reshape(1, L)

    def row_map(i):
        return (i, 0)

    def mem_map(i):
        return (i, 0, 0)

    def const2(i):
        return (0, 0)

    read_out, next2, ent = pl.pallas_call(
        functools.partial(_body, total_b=float(B)),
        grid=grid,
        in_specs=[
            pl.BlockSpec((bB, L), row_map),
            pl.BlockSpec((bB, L), row_map),
            pl.BlockSpec((bB, L), row_map),
            pl.BlockSpec((bB, SH, L), mem_map),
            pl.BlockSpec((bB, SH, L), mem_map),
            pl.BlockSpec((L, S), const2),
            pl.BlockSpec((1, S), const2),
            pl.BlockSpec((1, L), const2),
            pl.BlockSpec((1, 1), const2),
            pl.BlockSpec((1, L), const2),
            pl.BlockSpec((1, L), const2),
            pl.BlockSpec((1, L), const2),
            pl.BlockSpec((1, L), const2),
        ],
        out_specs=[
            pl.BlockSpec((2, bB, D), lambda i: (0, i, 0)),
            pl.BlockSpec((2, bB, SH, L), lambda i: (0, i, 0, 0)),
            pl.BlockSpec((8, 128), lambda i: (i, 0)),
        ],
        out_shape=[
            jax.ShapeDtypeStruct((2, B, D), jnp.float32),
            jax.ShapeDtypeStruct((2, B, SH, L), jnp.float32),
            jax.ShapeDtypeStruct((grid[0] * 8, 128), jnp.float32),
        ],
        compiler_params=pltpu.CompilerParams(
            dimension_semantics=("parallel",),
        ),
    )(qrr, qii, qcat, pm2_r, pm2_i, WaG, baG, Wg, bg2, gr2, br2, gi2, bi2)

    return (read_out, next2.reshape(2, B, S, D), jnp.sum(ent))

# --- scband reference (transcript-rebuilt; emitter-appended) ---
"""Pipeline reference for scband-associative-memory-88381837017745 (READ-ONLY COPY).

The authoritative reference and input builder live on the scoring server;
editing this copy changes nothing except your own understanding.
"""

import jax, jax.numpy as jnp
import numpy as np

TOPK = 3

def layer_norm(x, g, b, eps=1e-6):
    mu = jnp.mean(x, axis=-1, keepdims=True)
    var = jnp.mean((x - mu) ** 2, axis=-1, keepdims=True)
    return (x - mu) / jnp.sqrt(var + eps) * g + b

def setup_inputs(seed: int = 0) -> dict:
    key = jax.random.key(seed)
    ks = jax.random.split(key, 12)
    B, S, D = 2048, 128, 64
    inp = {}
    inp['gw_state_real'] = jax.random.normal(ks[0], (B, D), dtype=jnp.float32)
    inp['gw_state_imag'] = jax.random.normal(ks[1], (B, D), dtype=jnp.float32)
    inp['prev_mem_real'] = jax.random.normal(ks[2], (B, S, D), dtype=jnp.float32)
    inp['prev_mem_imag'] = jax.random.normal(ks[3], (B, S, D), dtype=jnp.float32)
    inp['Wg'] = jax.random.normal(ks[4], (1, 2 * D), dtype=jnp.float32) / np.sqrt(2 * D)
    inp['bg'] = jnp.zeros((1,), dtype=jnp.float32)
    inp['Wa'] = jax.random.normal(ks[5], (S, 2 * D), dtype=jnp.float32) / np.sqrt(2 * D)
    inp['ba'] = jnp.zeros((S,), dtype=jnp.float32)
    inp['gamma_r'] = jnp.ones((D,), dtype=jnp.float32)
    inp['beta_r'] = jnp.zeros((D,), dtype=jnp.float32)
    inp['gamma_i'] = jnp.ones((D,), dtype=jnp.float32)
    inp['beta_i'] = jnp.zeros((D,), dtype=jnp.float32)
    return inp

def reference(gw_state_real, gw_state_imag, prev_mem_real, prev_mem_imag, Wg, bg, Wa, ba, gamma_r, beta_r, gamma_i, beta_i):
    # q = gw_state.unsqueeze(1); sim = Re(conj(prev_mem) * q).sum(-1)
    q_r = gw_state_real[:, None, :]
    q_i = gw_state_imag[:, None, :]
    sim = jnp.sum(prev_mem_real * q_r + prev_mem_imag * q_i, axis=-1)  # [B, S]
    sim = sim - jax.lax.stop_gradient(jnp.max(sim, axis=-1, keepdims=True))
    attn = jax.nn.softmax(sim, axis=-1)[..., None]  # [B, S, 1] (real-valued)
    read_r = jnp.sum(prev_mem_real * attn, axis=1)  # [B, D]
    read_i = jnp.sum(prev_mem_imag * attn, axis=1)
    flat = jnp.concatenate([gw_state_real, gw_state_imag], axis=-1)  # [B, 2D]
    write_gate = jax.nn.sigmoid(flat @ Wg.T + bg)[:, :, None]  # [B, 1, 1]
    logits = flat @ Wa.T + ba  # [B, S]
    logits = logits - jax.lax.stop_gradient(jnp.max(logits, axis=-1, keepdims=True))
    write_weights = jax.nn.softmax(logits, axis=-1)
    slot_entropy = jnp.mean(-jnp.sum(write_weights * jnp.log(write_weights + 1e-10), axis=-1))
    top_vals, top_idx = jax.lax.top_k(write_weights, TOPK)
    B = write_weights.shape[0]
    sparse = jnp.zeros_like(write_weights).at[jnp.arange(B)[:, None], top_idx].set(top_vals)
    sparse = sparse / (jnp.sum(sparse, axis=-1, keepdims=True) + 1e-6)
    effective_update = write_gate * sparse[:, :, None]  # [B, S, 1]
    new_r = gw_state_real[:, None, :]
    new_i = gw_state_imag[:, None, :]
    delta_r = effective_update * (new_r - prev_mem_real)
    delta_i = effective_update * (new_i - prev_mem_imag)
    next_r = jnp.tanh(prev_mem_real + delta_r)
    next_i = jnp.tanh(prev_mem_imag + delta_i)
    next_r = layer_norm(next_r, gamma_r, beta_r)
    next_i = layer_norm(next_i, gamma_i, beta_i)
    read_out = jnp.stack([read_r, read_i])      # [2, B, D] (real, imag parts)
    next_mem = jnp.stack([next_r, next_i])      # [2, B, S, D]
    return (read_out, next_mem, slot_entropy)

if __name__ == "__main__":
    import jax
    _d = setup_inputs()
    print(jax.jit(kernel)(*tuple(_d.values())))

</pallas_src>

<mosaic_0001>
module attributes {stable_mosaic.version = 14 : i64} {
  func.func @_body(%arg0: i32, %arg1: memref<64x128xf32, #tpu.memory_space<vmem>>, %arg2: memref<64x128xf32, #tpu.memory_space<vmem>>, %arg3: memref<64x128xf32, #tpu.memory_space<vmem>>, %arg4: memref<64x64x128xf32, #tpu.memory_space<vmem>>, %arg5: memref<64x64x128xf32, #tpu.memory_space<vmem>>, %arg6: memref<128x128xf32, #tpu.memory_space<vmem>>, %arg7: memref<1x128xf32, #tpu.memory_space<vmem>>, %arg8: memref<1x128xf32, #tpu.memory_space<vmem>>, %arg9: memref<1x1xf32, #tpu.memory_space<vmem>>, %arg10: memref<1x128xf32, #tpu.memory_space<vmem>>, %arg11: memref<1x128xf32, #tpu.memory_space<vmem>>, %arg12: memref<1x128xf32, #tpu.memory_space<vmem>>, %arg13: memref<1x128xf32, #tpu.memory_space<vmem>>, %arg14: memref<2x64x64xf32, #tpu.memory_space<vmem>>, %arg15: memref<2x64x64x128xf32, #tpu.memory_space<vmem>>, %arg16: memref<8x128xf32, #tpu.memory_space<vmem>>) attributes {dimension_semantics = [#tpu.dimension_semantics<parallel>], iteration_bounds = array<i64: 32>, scalar_prefetch = 0 : i64, scratch_operands = 0 : i64, tpu.core_type = #tpu.core_type<tc>, window_params = [{transform_indices = @transform_0, window_bounds = array<i64: 64, 128>}, {transform_indices = @transform_1, window_bounds = array<i64: 64, 128>}, {transform_indices = @transform_2, window_bounds = array<i64: 64, 128>}, {transform_indices = @transform_3, window_bounds = array<i64: 64, 64, 128>}, {transform_indices = @transform_4, window_bounds = array<i64: 64, 64, 128>}, {pipeline_mode = #tpu.pipeline_mode<synchronous>, transform_indices = @transform_5, window_bounds = array<i64: 128, 128>}, {pipeline_mode = #tpu.pipeline_mode<synchronous>, transform_indices = @transform_6, window_bounds = array<i64: 1, 128>}, {pipeline_mode = #tpu.pipeline_mode<synchronous>, transform_indices = @transform_7, window_bounds = array<i64: 1, 128>}, {pipeline_mode = #tpu.pipeline_mode<synchronous>, transform_indices = @transform_8, window_bounds = array<i64: 1, 1>}, {pipeline_mode = #tpu.pipeline_mode<synchronous>, transform_indices = @transform_9, window_bounds = array<i64: 1, 128>}, {pipeline_mode = #tpu.pipeline_mode<synchronous>, transform_indices = @transform_10, window_bounds = array<i64: 1, 128>}, {pipeline_mode = #tpu.pipeline_mode<synchronous>, transform_indices = @transform_11, window_bounds = array<i64: 1, 128>}, {pipeline_mode = #tpu.pipeline_mode<synchronous>, transform_indices = @transform_12, window_bounds = array<i64: 1, 128>}, {transform_indices = @transform_13, window_bounds = array<i64: 2, 64, 64>}, {transform_indices = @transform_14, window_bounds = array<i64: 2, 64, 64, 128>}, {transform_indices = @transform_15, window_bounds = array<i64: 8, 128>}]} {
    %get3A = arith.constant 0 : index
    %get3A_0 = arith.constant 0 : index
    %get3A_1 = arith.constant 0 : index
    %get3A_2 = vector.load %arg4[%get3A, %get3A_0, %get3A_1] : memref<64x64x128xf32, #tpu.memory_space<vmem>>, vector<64x64x128xf32>
    %get3A_3 = arith.constant 0 : index
    %get3A_4 = arith.constant 0 : index
    %get3A_5 = arith.constant 0 : index
    %get3A_6 = vector.load %arg5[%get3A_3, %get3A_4, %get3A_5] : memref<64x64x128xf32, #tpu.memory_space<vmem>>, vector<64x64x128xf32>
    %iota3A = tpu.iota {dimensions = array<i32: 2>} : vector<1x1x128xi32>
    %lt3A = arith.constant 64 : i32
    %lt3A_7 = vector.broadcast %lt3A : i32 to vector<1x1x128xi32>
    %lt3A_8 = arith.cmpi slt, %iota3A, %lt3A_7 : vector<1x1x128xi32>
    %jit3A = arith.constant 1.000000e+00 : f32
    %jit3A_9 = arith.constant -1.000000e+00 : f32
    %broadcast_in_dim3A = vector.broadcast %jit3A : f32 to vector<1x1x128xf32>
    %broadcast_in_dim3A_10 = vector.broadcast %jit3A_9 : f32 to vector<1x1x128xf32>
    %select_n3A = arith.select %lt3A_8, %broadcast_in_dim3A, %broadcast_in_dim3A_10 : vector<1x1x128xi1>, vector<1x1x128xf32>
    %get3A_11 = arith.constant 0 : index
    %get3A_12 = arith.constant 0 : index
    %get3A_13 = vector.load %arg1[%get3A_11, %get3A_12] : memref<64x128xf32, #tpu.memory_space<vmem>>, vector<64x128xf32>
    %broadcast_in_dim3A_14 = vector.shape_cast %get3A_13 : vector<64x128xf32> to vector<64x1x128xf32>
    %get3A_15 = arith.constant 0 : index
    %get3A_16 = arith.constant 0 : index
    %get3A_17 = vector.load %arg2[%get3A_15, %get3A_16] : memref<64x128xf32, #tpu.memory_space<vmem>>, vector<64x128xf32>
    %broadcast_in_dim3A_18 = vector.shape_cast %get3A_17 : vector<64x128xf32> to vector<64x1x128xf32>
    %mul3A = vector.broadcast %broadcast_in_dim3A_14 : vector<64x1x128xf32> to vector<64x64x128xf32>
    %mul3A_19 = arith.mulf %get3A_2, %mul3A : vector<64x64x128xf32>
    %mul3A_20 = vector.broadcast %broadcast_in_dim3A_18 : vector<64x1x128xf32> to vector<64x64x128xf32>
    %mul3A_21 = arith.mulf %get3A_6, %mul3A_20 : vector<64x64x128xf32>
    %add3A = arith.addf %mul3A_19, %mul3A_21 : vector<64x64x128xf32>
    %reduce_sum3A = arith.constant dense<0.000000e+00> : vector<64x64xf32>
    %reduce_sum3A_22 = vector.multi_reduction <add>, %add3A, %reduce_sum3A [2] : vector<64x64x128xf32> to vector<64x64xf32>
    %mul3A_23 = vector.broadcast %select_n3A : vector<1x1x128xf32> to vector<64x64x128xf32>
    %mul3A_24 = arith.mulf %add3A, %mul3A_23 : vector<64x64x128xf32>
    %reduce_sum3A_25 = arith.constant dense<0.000000e+00> : vector<64x64xf32>
    %reduce_sum3A_26 = vector.multi_reduction <add>, %mul3A_24, %reduce_sum3A_25 [2] : vector<64x64x128xf32> to vector<64x64xf32>
    %add3A_27 = arith.addf %reduce_sum3A_22, %reduce_sum3A_26 : vector<64x64xf32>
    %mul3A_28 = arith.constant 5.000000e-01 : f32
    %mul3A_29 = vector.broadcast %mul3A_28 : f32 to vector<64x64xf32>
    %mul3A_30 = arith.mulf %add3A_27, %mul3A_29 : vector<64x64xf32>
    %sub3A = arith.subf %reduce_sum3A_22, %reduce_sum3A_26 : vector<64x64xf32>
    %mul3A_31 = arith.constant 5.000000e-01 : f32
    %mul3A_32 = vector.broadcast %mul3A_31 : f32 to vector<64x64xf32>
    %mul3A_33 = arith.mulf %sub3A, %mul3A_32 : vector<64x64xf32>
    %concatenate3A = tpu.concatenate %mul3A_30, %mul3A_33 in 1 : vector<64x64xf32>, vector<64x64xf32> -> vector<64x128xf32>
    %reduce_max3A = arith.constant dense<0xFF800000> : vector<64xf32>
    %reduce_max3A_34 = vector.multi_reduction <maximumf>, %concatenate3A, %reduce_max3A [1] : vector<64x128xf32> to vector<64xf32>
    %broadcast_in_dim3A_35 = vector.shape_cast %reduce_max3A_34 : vector<64xf32> to vector<64x1xf32>
    %sub3A_36 = vector.broadcast %broadcast_in_dim3A_35 : vector<64x1xf32> to vector<64x128xf32>
    %sub3A_37 = arith.subf %concatenate3A, %sub3A_36 : vector<64x128xf32>
    %exp3A = math.exp %sub3A_37 : vector<64x128xf32>
    %reduce_sum3A_38 = arith.constant dense<0.000000e+00> : vector<64xf32>
    %reduce_sum3A_39 = vector.multi_reduction <add>, %exp3A, %reduce_sum3A_38 [1] : vector<64x128xf32> to vector<64xf32>
    %broadcast_in_dim3A_40 = vector.shape_cast %reduce_sum3A_39 : vector<64xf32> to vector<64x1xf32>
    %div3A = vector.broadcast %broadcast_in_dim3A_40 : vector<64x1xf32> to vector<64x128xf32>
    %div3A_41 = arith.divf %exp3A, %div3A : vector<64x128xf32>
    %slice3A = vector.extract_strided_slice %div3A_41 {offsets = [0, 0], sizes = [64, 64], strides = [1, 1]} : vector<64x128xf32> to vector<64x64xf32>
    %broadcast_in_dim3A_42 = vector.shape_cast %slice3A : vector<64x64xf32> to vector<64x64x1xf32>
    %slice3A_43 = vector.extract_strided_slice %div3A_41 {offsets = [0, 64], sizes = [64, 64], strides = [1, 1]} : vector<64x128xf32> to vector<64x64xf32>
    %broadcast_in_dim3A_44 = vector.shape_cast %slice3A_43 : vector<64x64xf32> to vector<64x64x1xf32>
    %broadcast_in_dim3A_45 = vector.shape_cast %lt3A_8 : vector<1x1x128xi1> to vector<1x1x128xi1>
    %broadcast_in_dim3A_46 = vector.broadcast %broadcast_in_dim3A_45 : vector<1x1x128xi1> to vector<64x64x128xi1>
    %broadcast_in_dim3A_47 = vector.shape_cast %broadcast_in_dim3A_42 : vector<64x64x1xf32> to vector<64x64x1xf32>
    %broadcast_in_dim3A_48 = vector.broadcast %broadcast_in_dim3A_47 : vector<64x64x1xf32> to vector<64x64x128xf32>
    %broadcast_in_dim3A_49 = vector.shape_cast %broadcast_in_dim3A_44 : vector<64x64x1xf32> to vector<64x64x1xf32>
    %broadcast_in_dim3A_50 = vector.broadcast %broadcast_in_dim3A_49 : vector<64x64x1xf32> to vector<64x64x128xf32>
    %select_n3A_51 = arith.select %broadcast_in_dim3A_46, %broadcast_in_dim3A_48, %broadcast_in_dim3A_50 : vector<64x64x128xi1>, vector<64x64x128xf32>
    %mul3A_52 = arith.mulf %select_n3A_51, %get3A_2 : vector<64x64x128xf32>
    %reduce_sum3A_53 = arith.constant dense<0.000000e+00> : vector<64x128xf32>
    %reduce_sum3A_54 = vector.multi_reduction <add>, %mul3A_52, %reduce_sum3A_53 [1] : vector<64x64x128xf32> to vector<64x128xf32>
    %mul3A_55 = arith.mulf %select_n3A_51, %get3A_6 : vector<64x64x128xf32>
    %reduce_sum3A_56 = arith.constant dense<0.000000e+00> : vector<64x128xf32>
    %reduce_sum3A_57 = vector.multi_reduction <add>, %mul3A_55, %reduce_sum3A_56 [1] : vector<64x64x128xf32> to vector<64x128xf32>
    %slice3A_58 = vector.extract_strided_slice %reduce_sum3A_54 {offsets = [0, 0], sizes = [64, 64], strides = [1, 1]} : vector<64x128xf32> to vector<64x64xf32>
    %slice3A_59 = vector.extract_strided_slice %reduce_sum3A_54 {offsets = [0, 64], sizes = [64, 64], strides = [1, 1]} : vector<64x128xf32> to vector<64x64xf32>
    %add3A_60 = arith.addf %slice3A_58, %slice3A_59 : vector<64x64xf32>
    %swap3A = arith.constant 0 : index
    %swap3A_61 = arith.constant 0 : index
    %swap3A_62 = arith.constant 0 : index
    %swap3A_63 = vector.load %arg14[%swap3A, %swap3A_61, %swap3A_62] : memref<2x64x64xf32, #tpu.memory_space<vmem>>, vector<1x64x64xf32>
    %swap3A_64 = vector.shape_cast %swap3A_63 : vector<1x64x64xf32> to vector<64x64xf32>
    %swap3A_65 = vector.shape_cast %add3A_60 : vector<64x64xf32> to vector<1x64x64xf32>
    tpu.vector_store %arg14[%swap3A, %swap3A_61, %swap3A_62], %swap3A_65 {strides = array<i32>} : memref<2x64x64xf32, #tpu.memory_space<vmem>>, vector<1x64x64xf32>,
    %slice3A_66 = vector.extract_strided_slice %reduce_sum3A_57 {offsets = [0, 0], sizes = [64, 64], strides = [1, 1]} : vector<64x128xf32> to vector<64x64xf32>
    %slice3A_67 = vector.extract_strided_slice %reduce_sum3A_57 {offsets = [0, 64], sizes = [64, 64], strides = [1, 1]} : vector<64x128xf32> to vector<64x64xf32>
    %add3A_68 = arith.addf %slice3A_66, %slice3A_67 : vector<64x64xf32>
    %swap3A_69 = arith.constant 1 : index
    %swap3A_70 = arith.constant 0 : index
    %swap3A_71 = arith.constant 0 : index
    %swap3A_72 = vector.load %arg14[%swap3A_69, %swap3A_70, %swap3A_71] : memref<2x64x64xf32, #tpu.memory_space<vmem>>, vector<1x64x64xf32>
    %swap3A_73 = vector.shape_cast %swap3A_72 : vector<1x64x64xf32> to vector<64x64xf32>
    %swap3A_74 = vector.shape_cast %add3A_68 : vector<64x64xf32> to vector<1x64x64xf32>
    tpu.vector_store %arg14[%swap3A_69, %swap3A_70, %swap3A_71], %swap3A_74 {strides = array<i32>} : memref<2x64x64xf32, #tpu.memory_space<vmem>>, vector<1x64x64xf32>,
    %get3A_75 = arith.constant 0 : index
    %get3A_76 = arith.constant 0 : index
    %get3A_77 = vector.load %arg3[%get3A_75, %get3A_76] : memref<64x128xf32, #tpu.memory_space<vmem>>, vector<64x128xf32>
    %get3A_78 = arith.constant 0 : index
    %get3A_79 = arith.constant 0 : index
    %get3A_80 = vector.load %arg8[%get3A_78, %get3A_79] : memref<1x128xf32, #tpu.memory_space<vmem>>, vector<1x128xf32>
    %mul3A_81 = vector.broadcast %get3A_80 : vector<1x128xf32> to vector<64x128xf32>
    %mul3A_82 = arith.mulf %get3A_77, %mul3A_81 : vector<64x128xf32>
    %reduce_sum3A_83 = arith.constant dense<0.000000e+00> : vector<64xf32>
    %reduce_sum3A_84 = vector.multi_reduction <add>, %mul3A_82, %reduce_sum3A_83 [1] : vector<64x128xf32> to vector<64xf32>
    %broadcast_in_dim3A_85 = vector.shape_cast %reduce_sum3A_84 : vector<64xf32> to vector<64x1xf32>
    %get3A_86 = arith.constant 0 : index
    %get3A_87 = arith.constant 0 : index
    %get3A_88 = vector.load %arg9[%get3A_86, %get3A_87] : memref<1x1xf32, #tpu.memory_space<vmem>>, vector<1x1xf32>
    %get3A_89 = vector.extract %get3A_88[0, 0] : f32 from vector<1x1xf32>
    %add3A_90 = vector.broadcast %get3A_89 : f32 to vector<64x1xf32>
    %add3A_91 = arith.addf %broadcast_in_dim3A_85, %add3A_90 : vector<64x1xf32>
    %logistic3A = arith.negf %add3A_91 : vector<64x1xf32>
    %logistic3A_92 = math.exp %logistic3A : vector<64x1xf32>
    %logistic3A_93 = arith.constant 1.000000e+00 : f32
    %logistic3A_94 = vector.broadcast %logistic3A_93 : f32 to vector<64x1xf32>
    %logistic3A_95 = arith.addf %logistic3A_94, %logistic3A_92 : vector<64x1xf32>
    %logistic3A_96 = arith.divf %logistic3A_94, %logistic3A_95 : vector<64x1xf32>
    %get3A_97 = arith.constant 0 : index
    %get3A_98 = arith.constant 0 : index
    %get3A_99 = vector.load %arg6[%get3A_97, %get3A_98] : memref<128x128xf32, #tpu.memory_space<vmem>>, vector<128x128xf32>
    %dot_general3A = arith.constant dense<0.000000e+00> : vector<64x128xf32>
    %dot_general3A_100 = tpu.matmul %get3A_77, %get3A_99, %dot_general3A {dimension_numbers = #tpu.dot_dimension_numbers<[1], [0], [0], [1], [0, 0, 1, 1], [], []>, transpose_lhs_hint = false} : vector<64x128xf32>, vector<128x128xf32>, vector<64x128xf32> -> vector<64x128xf32>
    %get3A_101 = arith.constant 0 : index
    %get3A_102 = arith.constant 0 : index
    %get3A_103 = vector.load %arg7[%get3A_101, %get3A_102] : memref<1x128xf32, #tpu.memory_space<vmem>>, vector<1x128xf32>
    %add3A_104 = vector.broadcast %get3A_103 : vector<1x128xf32> to vector<64x128xf32>
    %add3A_105 = arith.addf %dot_general3A_100, %add3A_104 : vector<64x128xf32>
    %reduce_max3A_106 = arith.constant dense<0xFF800000> : vector<64xf32>
    %reduce_max3A_107 = vector.multi_reduction <maximumf>, %add3A_105, %reduce_max3A_106 [1] : vector<64x128xf32> to vector<64xf32>
    %broadcast_in_dim3A_108 = vector.shape_cast %reduce_max3A_107 : vector<64xf32> to vector<64x1xf32>
    %sub3A_109 = vector.broadcast %broadcast_in_dim3A_108 : vector<64x1xf32> to vector<64x128xf32>
    %sub3A_110 = arith.subf %add3A_105, %sub3A_109 : vector<64x128xf32>
    %exp3A_111 = math.exp %sub3A_110 : vector<64x128xf32>
    %reduce_sum3A_112 = arith.constant dense<0.000000e+00> : vector<64xf32>
    %reduce_sum3A_113 = vector.multi_reduction <add>, %exp3A_111, %reduce_sum3A_112 [1] : vector<64x128xf32> to vector<64xf32>
    %broadcast_in_dim3A_114 = vector.shape_cast %reduce_sum3A_113 : vector<64xf32> to vector<64x1xf32>
    %div3A_115 = vector.broadcast %broadcast_in_dim3A_114 : vector<64x1xf32> to vector<64x128xf32>
    %div3A_116 = arith.divf %exp3A_111, %div3A_115 : vector<64x128xf32>
    %add3A_117 = arith.constant 1.000000e-10 : f32
    %add3A_118 = vector.broadcast %add3A_117 : f32 to vector<64x128xf32>
    %add3A_119 = arith.addf %div3A_116, %add3A_118 : vector<64x128xf32>
    %log3A = math.log %add3A_119 : vector<64x128xf32>
    %mul3A_120 = arith.mulf %div3A_116, %log3A : vector<64x128xf32>
    %reduce_sum3A_121 = arith.constant dense<0.000000e+00> : vector<64xf32>
    %reduce_sum3A_122 = vector.multi_reduction <add>, %mul3A_120, %reduce_sum3A_121 [1] : vector<64x128xf32> to vector<64xf32>
    %broadcast_in_dim3A_123 = vector.shape_cast %reduce_sum3A_122 : vector<64xf32> to vector<64x1xf32>
    %neg3A = arith.constant 0.000000e+00 : f32
    %neg3A_124 = vector.broadcast %neg3A : f32 to vector<64x1xf32>
    %neg3A_125 = arith.subf %neg3A_124, %broadcast_in_dim3A_123 : vector<64x1xf32>
    %reduce_sum3A_126 = vector.shape_cast %neg3A_125 : vector<64x1xf32> to vector<1x64x1xf32>
    %reduce_sum3A_127 = arith.constant dense<0.000000e+00> : vector<1xf32>
    %reduce_sum3A_128 = vector.multi_reduction <add>, %reduce_sum3A_126, %reduce_sum3A_127 [1, 2] : vector<1x64x1xf32> to vector<1xf32>
    %reduce_sum3A_129 = vector.shape_cast %reduce_sum3A_128 : vector<1xf32> to vector<1x1x1xf32>
    %reduce_sum3A_130 = vector.extract %reduce_sum3A_129[0, 0, 0] : f32 from vector<1x1x1xf32>
    %div3A_131 = arith.constant 0x4A000000 : f32
    %div3A_132 = arith.divf %reduce_sum3A_130, %div3A_131 : f32
    %broadcast_in_dim3A_133 = vector.broadcast %div3A_132 : f32 to vector<8x128xf32>
    %swap3A_134 = arith.constant 0 : index
    %swap3A_135 = arith.constant 0 : index
    %swap3A_136 = vector.load %arg16[%swap3A_134, %swap3A_135] : memref<8x128xf32, #tpu.memory_space<vmem>>, vector<8x128xf32>
    tpu.vector_store %arg16[%swap3A_134, %swap3A_135], %broadcast_in_dim3A_133 {strides = array<i32>} : memref<8x128xf32, #tpu.memory_space<vmem>>, vector<8x128xf32>,
    %iota3A_137 = tpu.iota {dimensions = array<i32: 1>} : vector<64x128xi32>
    %broadcast_in_dim3A_138 = arith.constant false
    %broadcast_in_dim3A_139 = vector.broadcast %broadcast_in_dim3A_138 : i1 to vector<64x128xi1>
    %reduce_max3A_140 = arith.constant dense<0xFF800000> : vector<64xf32>
    %reduce_max3A_141 = vector.multi_reduction <maximumf>, %div3A_116, %reduce_max3A_140 [1] : vector<64x128xf32> to vector<64xf32>
    %broadcast_in_dim3A_142 = vector.shape_cast %reduce_max3A_141 : vector<64xf32> to vector<64x1xf32>
    %eq3A = vector.broadcast %broadcast_in_dim3A_142 : vector<64x1xf32> to vector<64x128xf32>
    %eq3A_143 = arith.cmpf oeq, %div3A_116, %eq3A : vector<64x128xf32>
    %jit3A_144 = arith.constant 128 : i32
    %broadcast_in_dim3A_145 = vector.broadcast %jit3A_144 : i32 to vector<64x128xi32>
    %select_n3A_146 = arith.select %eq3A_143, %iota3A_137, %broadcast_in_dim3A_145 : vector<64x128xi1>, vector<64x128xi32>
    %reduce_min3A = arith.constant dense<2147483647> : vector<64xi32>
    %reduce_min3A_147 = vector.multi_reduction <minsi>, %select_n3A_146, %reduce_min3A [1] : vector<64x128xi32> to vector<64xi32>
    %broadcast_in_dim3A_148 = vector.shape_cast %reduce_min3A_147 : vector<64xi32> to vector<64x1xi32>
    %eq3A_149 = vector.broadcast %broadcast_in_dim3A_148 : vector<64x1xi32> to vector<64x128xi32>
    %eq3A_150 = arith.cmpi eq, %iota3A_137, %eq3A_149 : vector<64x128xi32>
    %or3A = arith.ori %broadcast_in_dim3A_139, %eq3A_150 : vector<64x128xi1>
    %jit3A_151 = arith.constant -1.000000e+00 : f32
    %broadcast_in_dim3A_152 = vector.broadcast %jit3A_151 : f32 to vector<64x128xf32>
    %select_n3A_153 = arith.select %eq3A_150, %broadcast_in_dim3A_152, %div3A_116 : vector<64x128xi1>, vector<64x128xf32>
    %reduce_max3A_154 = arith.constant dense<0xFF800000> : vector<64xf32>
    %reduce_max3A_155 = vector.multi_reduction <maximumf>, %select_n3A_153, %reduce_max3A_154 [1] : vector<64x128xf32> to vector<64xf32>
    %broadcast_in_dim3A_156 = vector.shape_cast %reduce_max3A_155 : vector<64xf32> to vector<64x1xf32>
    %eq3A_157 = vector.broadcast %broadcast_in_dim3A_156 : vector<64x1xf32> to vector<64x128xf32>
    %eq3A_158 = arith.cmpf oeq, %select_n3A_153, %eq3A_157 : vector<64x128xf32>
    %jit3A_159 = arith.constant 128 : i32
    %broadcast_in_dim3A_160 = vector.broadcast %jit3A_159 : i32 to vector<64x128xi32>
    %select_n3A_161 = arith.select %eq3A_158, %iota3A_137, %broadcast_in_dim3A_160 : vector<64x128xi1>, vector<64x128xi32>
    %reduce_min3A_162 = arith.constant dense<2147483647> : vector<64xi32>
    %reduce_min3A_163 = vector.multi_reduction <minsi>, %select_n3A_161, %reduce_min3A_162 [1] : vector<64x128xi32> to vector<64xi32>
    %broadcast_in_dim3A_164 = vector.shape_cast %reduce_min3A_163 : vector<64xi32> to vector<64x1xi32>
    %eq3A_165 = vector.broadcast %broadcast_in_dim3A_164 : vector<64x1xi32> to vector<64x128xi32>
    %eq3A_166 = arith.cmpi eq, %iota3A_137, %eq3A_165 : vector<64x128xi32>
    %or3A_167 = arith.ori %or3A, %eq3A_166 : vector<64x128xi1>
    %jit3A_168 = arith.constant -1.000000e+00 : f32
    %broadcast_in_dim3A_169 = vector.broadcast %jit3A_168 : f32 to vector<64x128xf32>
    %select_n3A_170 = arith.select %eq3A_166, %broadcast_in_dim3A_169, %select_n3A_153 : vector<64x128xi1>, vector<64x128xf32>
    %reduce_max3A_171 = arith.constant dense<0xFF800000> : vector<64xf32>
    %reduce_max3A_172 = vector.multi_reduction <maximumf>, %select_n3A_170, %reduce_max3A_171 [1] : vector<64x128xf32> to vector<64xf32>
    %broadcast_in_dim3A_173 = vector.shape_cast %reduce_max3A_172 : vector<64xf32> to vector<64x1xf32>
    %eq3A_174 = vector.broadcast %broadcast_in_dim3A_173 : vector<64x1xf32> to vector<64x128xf32>
    %eq3A_175 = arith.cmpf oeq, %select_n3A_170, %eq3A_174 : vector<64x128xf32>
    %jit3A_176 = arith.constant 128 : i32
    %broadcast_in_dim3A_177 = vector.broadcast %jit3A_176 : i32 to vector<64x128xi32>
    %select_n3A_178 = arith.select %eq3A_175, %iota3A_137, %broadcast_in_dim3A_177 : vector<64x128xi1>, vector<64x128xi32>
    %reduce_min3A_179 = arith.constant dense<2147483647> : vector<64xi32>
    %reduce_min3A_180 = vector.multi_reduction <minsi>, %select_n3A_178, %reduce_min3A_179 [1] : vector<64x128xi32> to vector<64xi32>
    %broadcast_in_dim3A_181 = vector.shape_cast %reduce_min3A_180 : vector<64xi32> to vector<64x1xi32>
    %eq3A_182 = vector.broadcast %broadcast_in_dim3A_181 : vector<64x1xi32> to vector<64x128xi32>
    %eq3A_183 = arith.cmpi eq, %iota3A_137, %eq3A_182 : vector<64x128xi32>
    %or3A_184 = arith.ori %or3A_167, %eq3A_183 : vector<64x128xi1>
    %jit3A_185 = arith.constant 0.000000e+00 : f32
    %broadcast_in_dim3A_186 = vector.broadcast %jit3A_185 : f32 to vector<64x128xf32>
    %select_n3A_187 = arith.select %or3A_184, %div3A_116, %broadcast_in_dim3A_186 : vector<64x128xi1>, vector<64x128xf32>
    %reduce_sum3A_188 = arith.constant dense<0.000000e+00> : vector<64xf32>
    %reduce_sum3A_189 = vector.multi_reduction <add>, %select_n3A_187, %reduce_sum3A_188 [1] : vector<64x128xf32> to vector<64xf32>
    %broadcast_in_dim3A_190 = vector.shape_cast %reduce_sum3A_189 : vector<64xf32> to vector<64x1xf32>
    %add3A_191 = arith.constant 9.99999997E-7 : f32
    %add3A_192 = vector.broadcast %add3A_191 : f32 to vector<64x1xf32>
    %add3A_193 = arith.addf %broadcast_in_dim3A_190, %add3A_192 : vector<64x1xf32>
    %div3A_194 = vector.broadcast %add3A_193 : vector<64x1xf32> to vector<64x128xf32>
    %div3A_195 = arith.divf %select_n3A_187, %div3A_194 : vector<64x128xf32>
    %mul3A_196 = vector.broadcast %logistic3A_96 : vector<64x1xf32> to vector<64x128xf32>
    %mul3A_197 = arith.mulf %mul3A_196, %div3A_195 : vector<64x128xf32>
    %slice3A_198 = vector.extract_strided_slice %mul3A_197 {offsets = [0, 0], sizes = [64, 64], strides = [1, 1]} : vector<64x128xf32> to vector<64x64xf32>
    %broadcast_in_dim3A_199 = vector.shape_cast %slice3A_198 : vector<64x64xf32> to vector<64x64x1xf32>
    %slice3A_200 = vector.extract_strided_slice %mul3A_197 {offsets = [0, 64], sizes = [64, 64], strides = [1, 1]} : vector<64x128xf32> to vector<64x64xf32>
    %broadcast_in_dim3A_201 = vector.shape_cast %slice3A_200 : vector<64x64xf32> to vector<64x64x1xf32>
    %broadcast_in_dim3A_202 = vector.shape_cast %lt3A_8 : vector<1x1x128xi1> to vector<1x1x128xi1>
    %broadcast_in_dim3A_203 = vector.broadcast %broadcast_in_dim3A_202 : vector<1x1x128xi1> to vector<64x64x128xi1>
    %broadcast_in_dim3A_204 = vector.shape_cast %broadcast_in_dim3A_199 : vector<64x64x1xf32> to vector<64x64x1xf32>
    %broadcast_in_dim3A_205 = vector.broadcast %broadcast_in_dim3A_204 : vector<64x64x1xf32> to vector<64x64x128xf32>
    %broadcast_in_dim3A_206 = vector.shape_cast %broadcast_in_dim3A_201 : vector<64x64x1xf32> to vector<64x64x1xf32>
    %broadcast_in_dim3A_207 = vector.broadcast %broadcast_in_dim3A_206 : vector<64x64x1xf32> to vector<64x64x128xf32>
    %select_n3A_208 = arith.select %broadcast_in_dim3A_203, %broadcast_in_dim3A_205, %broadcast_in_dim3A_207 : vector<64x64x128xi1>, vector<64x64x128xf32>
    %sub3A_209 = vector.broadcast %broadcast_in_dim3A_14 : vector<64x1x128xf32> to vector<64x64x128xf32>
    %sub3A_210 = arith.subf %sub3A_209, %get3A_2 : vector<64x64x128xf32>
    %mul3A_211 = arith.mulf %select_n3A_208, %sub3A_210 : vector<64x64x128xf32>
    %add3A_212 = arith.addf %get3A_2, %mul3A_211 : vector<64x64x128xf32>
    %tanh3A = math.tanh %add3A_212 : vector<64x64x128xf32>
    %reduce_sum3A_213 = arith.constant dense<0.000000e+00> : vector<64x64xf32>
    %reduce_sum3A_214 = vector.multi_reduction <add>, %tanh3A, %reduce_sum3A_213 [2] : vector<64x64x128xf32> to vector<64x64xf32>
    %broadcast_in_dim3A_215 = vector.shape_cast %reduce_sum3A_214 : vector<64x64xf32> to vector<64x64x1xf32>
    %mul3A_216 = vector.broadcast %select_n3A : vector<1x1x128xf32> to vector<64x64x128xf32>
    %mul3A_217 = arith.mulf %tanh3A, %mul3A_216 : vector<64x64x128xf32>
    %reduce_sum3A_218 = arith.constant dense<0.000000e+00> : vector<64x64xf32>
    %reduce_sum3A_219 = vector.multi_reduction <add>, %mul3A_217, %reduce_sum3A_218 [2] : vector<64x64x128xf32> to vector<64x64xf32>
    %broadcast_in_dim3A_220 = vector.shape_cast %reduce_sum3A_219 : vector<64x64xf32> to vector<64x64x1xf32>
    %add3A_221 = arith.addf %broadcast_in_dim3A_215, %broadcast_in_dim3A_220 : vector<64x64x1xf32>
    %mul3A_222 = arith.constant 7.812500e-03 : f32
    %mul3A_223 = vector.broadcast %mul3A_222 : f32 to vector<64x64x1xf32>
    %mul3A_224 = arith.mulf %add3A_221, %mul3A_223 : vector<64x64x1xf32>
    %sub3A_225 = arith.subf %broadcast_in_dim3A_215, %broadcast_in_dim3A_220 : vector<64x64x1xf32>
    %mul3A_226 = arith.constant 7.812500e-03 : f32
    %mul3A_227 = vector.broadcast %mul3A_226 : f32 to vector<64x64x1xf32>
    %mul3A_228 = arith.mulf %sub3A_225, %mul3A_227 : vector<64x64x1xf32>
    %broadcast_in_dim3A_229 = vector.shape_cast %lt3A_8 : vector<1x1x128xi1> to vector<1x1x128xi1>
    %broadcast_in_dim3A_230 = vector.broadcast %broadcast_in_dim3A_229 : vector<1x1x128xi1> to vector<64x64x128xi1>
    %broadcast_in_dim3A_231 = vector.shape_cast %mul3A_224 : vector<64x64x1xf32> to vector<64x64x1xf32>
    %broadcast_in_dim3A_232 = vector.broadcast %broadcast_in_dim3A_231 : vector<64x64x1xf32> to vector<64x64x128xf32>
    %broadcast_in_dim3A_233 = vector.shape_cast %mul3A_228 : vector<64x64x1xf32> to vector<64x64x1xf32>
    %broadcast_in_dim3A_234 = vector.broadcast %broadcast_in_dim3A_233 : vector<64x64x1xf32> to vector<64x64x128xf32>
    %select_n3A_235 = arith.select %broadcast_in_dim3A_230, %broadcast_in_dim3A_232, %broadcast_in_dim3A_234 : vector<64x64x128xi1>, vector<64x64x128xf32>
    %sub3A_236 = arith.subf %tanh3A, %select_n3A_235 : vector<64x64x128xf32>
    %mul3A_237 = arith.mulf %sub3A_236, %sub3A_236 : vector<64x64x128xf32>
    %reduce_sum3A_238 = arith.constant dense<0.000000e+00> : vector<64x64xf32>
    %reduce_sum3A_239 = vector.multi_reduction <add>, %mul3A_237, %reduce_sum3A_238 [2] : vector<64x64x128xf32> to vector<64x64xf32>
    %broadcast_in_dim3A_240 = vector.shape_cast %reduce_sum3A_239 : vector<64x64xf32> to vector<64x64x1xf32>
    %mul3A_241 = vector.broadcast %select_n3A : vector<1x1x128xf32> to vector<64x64x128xf32>
    %mul3A_242 = arith.mulf %mul3A_237, %mul3A_241 : vector<64x64x128xf32>
    %reduce_sum3A_243 = arith.constant dense<0.000000e+00> : vector<64x64xf32>
    %reduce_sum3A_244 = vector.multi_reduction <add>, %mul3A_242, %reduce_sum3A_243 [2] : vector<64x64x128xf32> to vector<64x64xf32>
    %broadcast_in_dim3A_245 = vector.shape_cast %reduce_sum3A_244 : vector<64x64xf32> to vector<64x64x1xf32>
    %add3A_246 = arith.addf %broadcast_in_dim3A_240, %broadcast_in_dim3A_245 : vector<64x64x1xf32>
    %mul3A_247 = arith.constant 7.812500e-03 : f32
    %mul3A_248 = vector.broadcast %mul3A_247 : f32 to vector<64x64x1xf32>
    %mul3A_249 = arith.mulf %add3A_246, %mul3A_248 : vector<64x64x1xf32>
    %sub3A_250 = arith.subf %broadcast_in_dim3A_240, %broadcast_in_dim3A_245 : vector<64x64x1xf32>
    %mul3A_251 = arith.constant 7.812500e-03 : f32
    %mul3A_252 = vector.broadcast %mul3A_251 : f32 to vector<64x64x1xf32>
    %mul3A_253 = arith.mulf %sub3A_250, %mul3A_252 : vector<64x64x1xf32>
    %broadcast_in_dim3A_254 = vector.shape_cast %lt3A_8 : vector<1x1x128xi1> to vector<1x1x128xi1>
    %broadcast_in_dim3A_255 = vector.broadcast %broadcast_in_dim3A_254 : vector<1x1x128xi1> to vector<64x64x128xi1>
    %broadcast_in_dim3A_256 = vector.shape_cast %mul3A_249 : vector<64x64x1xf32> to vector<64x64x1xf32>
    %broadcast_in_dim3A_257 = vector.broadcast %broadcast_in_dim3A_256 : vector<64x64x1xf32> to vector<64x64x128xf32>
    %broadcast_in_dim3A_258 = vector.shape_cast %mul3A_253 : vector<64x64x1xf32> to vector<64x64x1xf32>
    %broadcast_in_dim3A_259 = vector.broadcast %broadcast_in_dim3A_258 : vector<64x64x1xf32> to vector<64x64x128xf32>
    %select_n3A_260 = arith.select %broadcast_in_dim3A_255, %broadcast_in_dim3A_257, %broadcast_in_dim3A_259 : vector<64x64x128xi1>, vector<64x64x128xf32>
    %add3A_261 = arith.constant 9.99999997E-7 : f32
    %add3A_262 = vector.broadcast %add3A_261 : f32 to vector<64x64x128xf32>
    %add3A_263 = arith.addf %select_n3A_260, %add3A_262 : vector<64x64x128xf32>
    %rsqrt3A = math.rsqrt %add3A_263 : vector<64x64x128xf32>
    %mul3A_264 = arith.mulf %sub3A_236, %rsqrt3A : vector<64x64x128xf32>
    %get3A_265 = arith.constant 0 : index
    %get3A_266 = arith.constant 0 : index
    %get3A_267 = vector.load %arg10[%get3A_265, %get3A_266] : memref<1x128xf32, #tpu.memory_space<vmem>>, vector<1x128xf32>
    %broadcast_in_dim3A_268 = vector.shape_cast %get3A_267 : vector<1x128xf32> to vector<1x1x128xf32>
    %mul3A_269 = vector.broadcast %broadcast_in_dim3A_268 : vector<1x1x128xf32> to vector<64x64x128xf32>
    %mul3A_270 = arith.mulf %mul3A_264, %mul3A_269 : vector<64x64x128xf32>
    %get3A_271 = arith.constant 0 : index
    %get3A_272 = arith.constant 0 : index
    %get3A_273 = vector.load %arg11[%get3A_271, %get3A_272] : memref<1x128xf32, #tpu.memory_space<vmem>>, vector<1x128xf32>
    %broadcast_in_dim3A_274 = vector.shape_cast %get3A_273 : vector<1x128xf32> to vector<1x1x128xf32>
    %add3A_275 = vector.broadcast %broadcast_in_dim3A_274 : vector<1x1x128xf32> to vector<64x64x128xf32>
    %add3A_276 = arith.addf %mul3A_270, %add3A_275 : vector<64x64x128xf32>
    %swap3A_277 = arith.constant 0 : index
    %swap3A_278 = arith.constant 0 : index
    %swap3A_279 = arith.constant 0 : index
    %swap3A_280 = arith.constant 0 : index
    %swap3A_281 = vector.load %arg15[%swap3A_277, %swap3A_278, %swap3A_279, %swap3A_280] : memref<2x64x64x128xf32, #tpu.memory_space<vmem>>, vector<1x64x64x128xf32>
    %swap3A_282 = vector.shape_cast %swap3A_281 : vector<1x64x64x128xf32> to vector<64x64x128xf32>
    %swap3A_283 = vector.shape_cast %add3A_276 : vector<64x64x128xf32> to vector<1x64x64x128xf32>
    tpu.vector_store %arg15[%swap3A_277, %swap3A_278, %swap3A_279, %swap3A_280], %swap3A_283 {strides = array<i32>} : memref<2x64x64x128xf32, #tpu.memory_space<vmem>>, vector<1x64x64x128xf32>,
    %sub3A_284 = vector.broadcast %broadcast_in_dim3A_18 : vector<64x1x128xf32> to vector<64x64x128xf32>
    %sub3A_285 = arith.subf %sub3A_284, %get3A_6 : vector<64x64x128xf32>
    %mul3A_286 = arith.mulf %select_n3A_208, %sub3A_285 : vector<64x64x128xf32>
    %add3A_287 = arith.addf %get3A_6, %mul3A_286 : vector<64x64x128xf32>
    %tanh3A_288 = math.tanh %add3A_287 : vector<64x64x128xf32>
    %reduce_sum3A_289 = arith.constant dense<0.000000e+00> : vector<64x64xf32>
    %reduce_sum3A_290 = vector.multi_reduction <add>, %tanh3A_288, %reduce_sum3A_289 [2] : vector<64x64x128xf32> to vector<64x64xf32>
    %broadcast_in_dim3A_291 = vector.shape_cast %reduce_sum3A_290 : vector<64x64xf32> to vector<64x64x1xf32>
    %mul3A_292 = vector.broadcast %select_n3A : vector<1x1x128xf32> to vector<64x64x128xf32>
    %mul3A_293 = arith.mulf %tanh3A_288, %mul3A_292 : vector<64x64x128xf32>
    %reduce_sum3A_294 = arith.constant dense<0.000000e+00> : vector<64x64xf32>
    %reduce_sum3A_295 = vector.multi_reduction <add>, %mul3A_293, %reduce_sum3A_294 [2] : vector<64x64x128xf32> to vector<64x64xf32>
    %broadcast_in_dim3A_296 = vector.shape_cast %reduce_sum3A_295 : vector<64x64xf32> to vector<64x64x1xf32>
    %add3A_297 = arith.addf %broadcast_in_dim3A_291, %broadcast_in_dim3A_296 : vector<64x64x1xf32>
    %mul3A_298 = arith.constant 7.812500e-03 : f32
    %mul3A_299 = vector.broadcast %mul3A_298 : f32 to vector<64x64x1xf32>
    %mul3A_300 = arith.mulf %add3A_297, %mul3A_299 : vector<64x64x1xf32>
    %sub3A_301 = arith.subf %broadcast_in_dim3A_291, %broadcast_in_dim3A_296 : vector<64x64x1xf32>
    %mul3A_302 = arith.constant 7.812500e-03 : f32
    %mul3A_303 = vector.broadcast %mul3A_302 : f32 to vector<64x64x1xf32>
    %mul3A_304 = arith.mulf %sub3A_301, %mul3A_303 : vector<64x64x1xf32>
    %broadcast_in_dim3A_305 = vector.shape_cast %lt3A_8 : vector<1x1x128xi1> to vector<1x1x128xi1>
    %broadcast_in_dim3A_306 = vector.broadcast %broadcast_in_dim3A_305 : vector<1x1x128xi1> to vector<64x64x128xi1>
    %broadcast_in_dim3A_307 = vector.shape_cast %mul3A_300 : vector<64x64x1xf32> to vector<64x64x1xf32>
    %broadcast_in_dim3A_308 = vector.broadcast %broadcast_in_dim3A_307 : vector<64x64x1xf32> to vector<64x64x128xf32>
    %broadcast_in_dim3A_309 = vector.shape_cast %mul3A_304 : vector<64x64x1xf32> to vector<64x64x1xf32>
    %broadcast_in_dim3A_310 = vector.broadcast %broadcast_in_dim3A_309 : vector<64x64x1xf32> to vector<64x64x128xf32>
    %select_n3A_311 = arith.select %broadcast_in_dim3A_306, %broadcast_in_dim3A_308, %broadcast_in_dim3A_310 : vector<64x64x128xi1>, vector<64x64x128xf32>
    %sub3A_312 = arith.subf %tanh3A_288, %select_n3A_311 : vector<64x64x128xf32>
    %mul3A_313 = arith.mulf %sub3A_312, %sub3A_312 : vector<64x64x128xf32>
    %reduce_sum3A_314 = arith.constant dense<0.000000e+00> : vector<64x64xf32>
    %reduce_sum3A_315 = vector.multi_reduction <add>, %mul3A_313, %reduce_sum3A_314 [2] : vector<64x64x128xf32> to vector<64x64xf32>
    %broadcast_in_dim3A_316 = vector.shape_cast %reduce_sum3A_315 : vector<64x64xf32> to vector<64x64x1xf32>
    %mul3A_317 = vector.broadcast %select_n3A : vector<1x1x128xf32> to vector<64x64x128xf32>
    %mul3A_318 = arith.mulf %mul3A_313, %mul3A_317 : vector<64x64x128xf32>
    %reduce_sum3A_319 = arith.constant dense<0.000000e+00> : vector<64x64xf32>
    %reduce_sum3A_320 = vector.multi_reduction <add>, %mul3A_318, %reduce_sum3A_319 [2] : vector<64x64x128xf32> to vector<64x64xf32>
    %broadcast_in_dim3A_321 = vector.shape_cast %reduce_sum3A_320 : vector<64x64xf32> to vector<64x64x1xf32>
    %add3A_322 = arith.addf %broadcast_in_dim3A_316, %broadcast_in_dim3A_321 : vector<64x64x1xf32>
    %mul3A_323 = arith.constant 7.812500e-03 : f32
    %mul3A_324 = vector.broadcast %mul3A_323 : f32 to vector<64x64x1xf32>
    %mul3A_325 = arith.mulf %add3A_322, %mul3A_324 : vector<64x64x1xf32>
    %sub3A_326 = arith.subf %broadcast_in_dim3A_316, %broadcast_in_dim3A_321 : vector<64x64x1xf32>
    %mul3A_327 = arith.constant 7.812500e-03 : f32
    %mul3A_328 = vector.broadcast %mul3A_327 : f32 to vector<64x64x1xf32>
    %mul3A_329 = arith.mulf %sub3A_326, %mul3A_328 : vector<64x64x1xf32>
    %broadcast_in_dim3A_330 = vector.shape_cast %lt3A_8 : vector<1x1x128xi1> to vector<1x1x128xi1>
    %broadcast_in_dim3A_331 = vector.broadcast %broadcast_in_dim3A_330 : vector<1x1x128xi1> to vector<64x64x128xi1>
    %broadcast_in_dim3A_332 = vector.shape_cast %mul3A_325 : vector<64x64x1xf32> to vector<64x64x1xf32>
    %broadcast_in_dim3A_333 = vector.broadcast %broadcast_in_dim3A_332 : vector<64x64x1xf32> to vector<64x64x128xf32>
    %broadcast_in_dim3A_334 = vector.shape_cast %mul3A_329 : vector<64x64x1xf32> to vector<64x64x1xf32>
    %broadcast_in_dim3A_335 = vector.broadcast %broadcast_in_dim3A_334 : vector<64x64x1xf32> to vector<64x64x128xf32>
    %select_n3A_336 = arith.select %broadcast_in_dim3A_331, %broadcast_in_dim3A_333, %broadcast_in_dim3A_335 : vector<64x64x128xi1>, vector<64x64x128xf32>
    %add3A_337 = arith.constant 9.99999997E-7 : f32
    %add3A_338 = vector.broadcast %add3A_337 : f32 to vector<64x64x128xf32>
    %add3A_339 = arith.addf %select_n3A_336, %add3A_338 : vector<64x64x128xf32>
    %rsqrt3A_340 = math.rsqrt %add3A_339 : vector<64x64x128xf32>
    %mul3A_341 = arith.mulf %sub3A_312, %rsqrt3A_340 : vector<64x64x128xf32>
    %get3A_342 = arith.constant 0 : index
    %get3A_343 = arith.constant 0 : index
    %get3A_344 = vector.load %arg12[%get3A_342, %get3A_343] : memref<1x128xf32, #tpu.memory_space<vmem>>, vector<1x128xf32>
    %broadcast_in_dim3A_345 = vector.shape_cast %get3A_344 : vector<1x128xf32> to vector<1x1x128xf32>
    %mul3A_346 = vector.broadcast %broadcast_in_dim3A_345 : vector<1x1x128xf32> to vector<64x64x128xf32>
    %mul3A_347 = arith.mulf %mul3A_341, %mul3A_346 : vector<64x64x128xf32>
    %get3A_348 = arith.constant 0 : index
    %get3A_349 = arith.constant 0 : index
    %get3A_350 = vector.load %arg13[%get3A_348, %get3A_349] : memref<1x128xf32, #tpu.memory_space<vmem>>, vector<1x128xf32>
    %broadcast_in_dim3A_351 = vector.shape_cast %get3A_350 : vector<1x128xf32> to vector<1x1x128xf32>
    %add3A_352 = vector.broadcast %broadcast_in_dim3A_351 : vector<1x1x128xf32> to vector<64x64x128xf32>
    %add3A_353 = arith.addf %mul3A_347, %add3A_352 : vector<64x64x128xf32>
    %swap3A_354 = arith.constant 1 : index
    %swap3A_355 = arith.constant 0 : index
    %swap3A_356 = arith.constant 0 : index
    %swap3A_357 = arith.constant 0 : index
    %swap3A_358 = vector.load %arg15[%swap3A_354, %swap3A_355, %swap3A_356, %swap3A_357] : memref<2x64x64x128xf32, #tpu.memory_space<vmem>>, vector<1x64x64x128xf32>
    %swap3A_359 = vector.shape_cast %swap3A_358 : vector<1x64x64x128xf32> to vector<64x64x128xf32>
    %swap3A_360 = vector.shape_cast %add3A_353 : vector<64x64x128xf32> to vector<1x64x64x128xf32>
    tpu.vector_store %arg15[%swap3A_354, %swap3A_355, %swap3A_356, %swap3A_357], %swap3A_360 {strides = array<i32>} : memref<2x64x64x128xf32, #tpu.memory_space<vmem>>, vector<1x64x64x128xf32>,
    return
  }
  func.func @transform_0(%arg0: i32) -> (i32, i32) {
    %c0_i32 = arith.constant 0 : i32
    %c0_i32_0 = arith.constant 0 : i32
    return %arg0, %c0_i32 : i32, i32
  }
  func.func @transform_1(%arg0: i32) -> (i32, i32) {
    %c0_i32 = arith.constant 0 : i32
    %c0_i32_0 = arith.constant 0 : i32
    return %arg0, %c0_i32 : i32, i32
  }
  func.func @transform_2(%arg0: i32) -> (i32, i32) {
    %c0_i32 = arith.constant 0 : i32
    %c0_i32_0 = arith.constant 0 : i32
    return %arg0, %c0_i32 : i32, i32
  }
  func.func @transform_3(%arg0: i32) -> (i32, i32, i32) {
    %c0_i32 = arith.constant 0 : i32
    %c0_i32_0 = arith.constant 0 : i32
    %c0_i32_1 = arith.constant 0 : i32
    return %arg0, %c0_i32, %c0_i32_0 : i32, i32, i32
  }
  func.func @transform_4(%arg0: i32) -> (i32, i32, i32) {
    %c0_i32 = arith.constant 0 : i32
    %c0_i32_0 = arith.constant 0 : i32
    %c0_i32_1 = arith.constant 0 : i32
    return %arg0, %c0_i32, %c0_i32_0 : i32, i32, i32
  }
  func.func @transform_5(%arg0: i32) -> (i32, i32) {
    %c0_i32 = arith.constant 0 : i32
    %c0_i32_0 = arith.constant 0 : i32
    %c0_i32_1 = arith.constant 0 : i32
    return %c0_i32, %c0_i32_0 : i32, i32
  }
  func.func @transform_6(%arg0: i32) -> (i32, i32) {
    %c0_i32 = arith.constant 0 : i32
    %c0_i32_0 = arith.constant 0 : i32
    %c0_i32_1 = arith.constant 0 : i32
    return %c0_i32, %c0_i32_0 : i32, i32
  }
  func.func @transform_7(%arg0: i32) -> (i32, i32) {
    %c0_i32 = arith.constant 0 : i32
    %c0_i32_0 = arith.constant 0 : i32
    %c0_i32_1 = arith.constant 0 : i32
    return %c0_i32, %c0_i32_0 : i32, i32
  }
  func.func @transform_8(%arg0: i32) -> (i32, i32) {
    %c0_i32 = arith.constant 0 : i32
    %c0_i32_0 = arith.constant 0 : i32
    %c0_i32_1 = arith.constant 0 : i32
    return %c0_i32, %c0_i32_0 : i32, i32
  }
  func.func @transform_9(%arg0: i32) -> (i32, i32) {
    %c0_i32 = arith.constant 0 : i32
    %c0_i32_0 = arith.constant 0 : i32
    %c0_i32_1 = arith.constant 0 : i32
    return %c0_i32, %c0_i32_0 : i32, i32
  }
  func.func @transform_10(%arg0: i32) -> (i32, i32) {
    %c0_i32 = arith.constant 0 : i32
    %c0_i32_0 = arith.constant 0 : i32
    %c0_i32_1 = arith.constant 0 : i32
    return %c0_i32, %c0_i32_0 : i32, i32
  }
  func.func @transform_11(%arg0: i32) -> (i32, i32) {
    %c0_i32 = arith.constant 0 : i32
    %c0_i32_0 = arith.constant 0 : i32
    %c0_i32_1 = arith.constant 0 : i32
    return %c0_i32, %c0_i32_0 : i32, i32
  }
  func.func @transform_12(%arg0: i32) -> (i32, i32) {
    %c0_i32 = arith.constant 0 : i32
    %c0_i32_0 = arith.constant 0 : i32
    %c0_i32_1 = arith.constant 0 : i32
    return %c0_i32, %c0_i32_0 : i32, i32
  }
  func.func @transform_13(%arg0: i32) -> (i32, i32, i32) {
    %c0_i32 = arith.constant 0 : i32
    %c0_i32_0 = arith.constant 0 : i32
    %c0_i32_1 = arith.constant 0 : i32
    return %c0_i32, %arg0, %c0_i32_0 : i32, i32, i32
  }
  func.func @transform_14(%arg0: i32) -> (i32, i32, i32, i32) {
    %c0_i32 = arith.constant 0 : i32
    %c0_i32_0 = arith.constant 0 : i32
    %c0_i32_1 = arith.constant 0 : i32
    %c0_i32_2 = arith.constant 0 : i32
    return %c0_i32, %arg0, %c0_i32_0, %c0_i32_1 : i32, i32, i32, i32
  }
  func.func @transform_15(%arg0: i32) -> (i32, i32) {
    %c0_i32 = arith.constant 0 : i32
    %c0_i32_0 = arith.constant 0 : i32
    return %arg0, %c0_i32 : i32, i32
  }
}

</mosaic_0001>

<sc_bundles>
// kernel: sparse-core-data-format-call.cloned.1.call-start
scs
called_computation_lowered:
.L_overlay_start_0:
0x0: {  	s2 =	sld [smem:$0x3FD9]  }
0x1: {  	s3 =	sld [smem:$0x3FFE];
	_ =	sdelay $0x1  }
0x2: {  	s1 =	srdreg.scid  }
0x3: {  	s0 =	sand.u32 $0x1, s1  }
0x4: {  	s15 =	sshll.u32 s0, $0xA;
	s2 =	sadd.s32 s3, s2  }
0x5: {  	s2 =	sadd.s32 s2, s15  }
0x6: {  	[smem:$0x3FBC] =	sst s2  }
0x7: {  	_ = 	snop  }
0x8: {  	s2 =	sld [smem:$0x3FD0];
	_ =	sdelay $0x2  }
0x9: {  	s16 =	simm.s32 $0xA;
	s4 =	simm.s32 $0x10  }
0xa: {  	[smem:s4], [sflag:s16] =	dma.local [hbm:s2], $0x1  }
0xb: {  	_ =	swait.eq [sflag:s16], $0x1  }
0xc: {  	[sflag:s16] =	ssyncset.done $0x0  }
0xd: {  	[sflag:s16] =	ssyncadd.s32 $0xFFFFFFFF  }
0xe: {  	s17 =	sld [smem:$0x11];
	(tm) =	ssettm $0x1  }
0xf: {  	s18 =	sld [smem:$0x3FFB];
	_ =	sdelay $0x3  }
0x10: {  	_ =	strace s18  }
0x11: {  	s3 =	sld [smem:$0x3FFC];
	_ =	sdelay $0x3  }
0x12: {  	_ =	strace s3  }
0x13: {  	s3 =	sld [smem:$0x3FFD];
	_ =	sdelay $0x3  }
0x14: {  	_ =	strace s3  }
0x15: {  	_ =	strace $0x8FFFFFFF  }
0x16: {  	s19 =	sld [smem:$0x3FDB];
	_ =	sdelay $0x1  }
0x17: {  	s20 =	simm.s32 $_scs_section_size  }
0x18: {  	s5 =	simm.s32 $_size__tile_overlayer_lowered;
	s6 =	simm.s32 $_tile_overlayer_lowered  }
0x19: {  	s23 =	simm.s32 $0x1BFF;
	s22 =	sshll.u32 s6, $0x1;
	s3 =	sadd.s32 s20, s19  }
0x1a: {  	s7 =	simm.s32 $0x0;
	s21 =	sshll.u32 s5, $0x1;
	s5 =	sadd.s32 s22, s3  }
0x1b: {  	[timem:s7], [sflag:s23] =	dma.local [hbm:s5], s21  }
0x1c: {  	_ =	swait.ge [sflag:s23], s21  }
0x1d: {  	s4 =	ssub.s32 $0x0, s21;
	[sflag:s23] =	ssyncset.done $0x0  }
0x1e: {  	[sflag:s23] =	ssyncadd.s32 s4;
	_ =	sdelay $0x1  }
0x1f: {  	s24 =	simm.s32 $0x1B8B  }
0x20: {  	_ =	swait.ge [sflag:s24], $0x1  }
0x21: {  	[sflag:s24] =	ssyncset.done $0x0  }
0x22: {  	s26 =	simm.s32 $0x1B8E;
	s25 =	sld [smem:$0x3FFE];
	[sflag:s24] =	ssyncadd.s32 $0xFFFFFFFF  }
0x23: {  	s27 =	simm.s32 $execute0_lowered;
	[smem:$0x3FD2] =	sst s26  }
0x24: {  	s5 =	sshll.u32 s27, $0x1;
	_ =	strace $0x80000046;
	[dreg:$0x1] =	wrdreg $0xFFFFFFFF  }
0x25: {  	s28 =	simm.s32 $_size_execute0_lowered;
	s3 =	sadd.s32 s3, s5;
	[dreg:$0x0] =	wrdreg $0x0  }
0x26: {  	s5 =	sshll.u32 s28, $0x1;
	[dreg:$0x2] =	wrdreg s3  }
0x27: {  	[dreg:$0x3] =	wrdreg s5  }
0x28: {  	[dreg:$0x4] =	wrdreg $0xC0  }
0x29: {  	_ =	task [dreg:s7], $0x5FFFF  }
0x2a: {  	[dreg:$0x1] =	wrdreg $0xFFFFFFFF  }
0x2b: {  	[dreg:$0x0] =	wrdreg $0x60  }
0x2c: {  	[dreg:$0x2] =	wrdreg s25  }
0x2d: {  	[dreg:$0x3] =	wrdreg s17  }
0x2e: {  	[dreg:$0x4] =	wrdreg $0x9  }
0x2f: {  	_ =	task.clear_ibuf [dreg:s7], $0x5FFFF;
	_ =	strace $0x90000046  }
0x30: {  	s29 =	simm.s32 $0x9;
	_ =	strace $0x80000048  }
0x31: {  	_ =	swait.ge [sflag:s29], $0x1  }
0x32: {  	[sflag:s29] =	ssyncadd.s32 $0xFFFFFFFF  }
0x33: {  	_ =	strace $0x90000048  }
0x34: {  	_ =	sfence  }
0x35: {  	s30 =	sld [smem:$0x0];
	_ =	sdelay $0x2  }
0x36: {  	s31 =	sshll.u32 s1, $0xD;
	s1 =	sshrl.u32 s1, $0x2  }
0x37: {  	s3 =	sand.u32 $0x4000, s31;
	s1 =	sadd.s32 s1, s30  }
0x38: {  	s0 =	sor.u32 s3, s0;
	s1 =	sshll.u32 s1, $0x11  }
0x39: {  	s0 =	sor.u32 s1, s0  }
0x3a: {  	s0 =	sadd.s32 $0x8F2B, s0  }
0x3b: {  	[sflag:s0] =	ssyncadd.remote.s32 $0x1  }
0x3c: {  	_ =	sfence.sel $0xFFFF  }
0x3d: {  	[dreg:$0x0] =	wrdreg $0xFFFFFFFF;
	(pc) =	sbr.abs _section_cstart, $3  }
0x3e: {  	[dreg:$0x1] =	wrdreg $0xFFFFFFFF  }
0x3f: {  	_ =	task.clear_ibuf [dreg:s7], $0x2FFFF;
	_ =	strace $0x9FFFFFFF  }
0x40: {  	(tm) =	ssettm $0x7FFFFFFF  }
0x41: {  	_ =	shalt  }
tec
execute0_lowered:
.L_overlay_start_1:
0x0: {  	(tag) =	ssettag $0x1  }
0x1: {  	s4 =	rddreg [dreg:$0x0]  }
0x2: {  	s2 =	rddreg [dreg:$0x1]  }
0x3: {  	s0 =	rddreg [dreg:$0x2];
	s1 =	stileid.u32  }
0x4: {  	_ =	strace $0x80000047;
	s5 =	srdreg.scid;
	s9 =	simm.s32 $0x2  }
0x5: {  	s15 =	simm.s32 $0x0;
	p0 =	por $0x0, $0x0;
	s18 =	simm.s32 $0x0  }
0x6: {  	s16 =	simm.s32 $0x0;
	s17 =	simm.s32 $0x0;
	s10 =	simm.s32 $0x0  }
0x7: {  	s12 =	simm.s32 $0x0;
	s14 =	simm.s32 $0x0;
	s3 =	sand.u32 $0x1, s1  }
0x8: {  	s4 =	sadd.s32 $0x13600, s4;
	s5 =	sshll.u32 s5, $0x4;
	s6 =	ssub.s32 $0x2, s3  }
.Ltmp0:
0x9: {  	s5 =	sand.u32 $0x10, s5;
	s7 =	sshrl.u32 s6, $0x1;
	(pc) =	sbr.rel .LBB1_1-.Ltmp0, $4  }
0xa: {  	s6 =	sand.u32 $0x1, s6;
	s8 =	sor.u32 s1, s5;
	s5 =	simm.s32 $0x1  }
0xb: {  	s13 =	smov.u32 s3;
	s6 =	sadd.s32 s6, s7;
	[sflag:s5] =	ssyncpa.u1 $0x0  }
0xc: {  	s7 =	sshrl.u32 s8, $0x1;
	s6 =	sshll.u32 s6, $0x6;
	[sflag:s9] =	ssyncpa.u1 $0x0  }
0xd: {  	s9 =	simm.s32 $0x2000;
	s11 =	smov.u32 s7;
	s8 =	sor.u32 $0x1, s6  }
.LBB1_4:
0xe: {  	v5 =	vld [tilespmem:s21+$0xFFFFFFD0];
	[tilespmem:s22+$0x2040 ss:$0x81] =	vst.msk $0xffff, v1  }
0xf: {  	v58 =	vld [tilespmem:s21+$0xFFFFFFE0];
	[tilespmem:s22+$0x2850 ss:$0x81] =	vst.msk $0xffff, v2  }
0x10: {  	s23 =	sshra.s32 s23, $0x2;
	v59 =	vld [tilespmem:s21+$0xFFFFFFF0];
	[tilespmem:s22+$0x3060 ss:$0x81] =	vst.msk $0xffff, v3  }
0x11: {  	v60 =	vld [tilespmem:s21+$0x0];
	[tilespmem:s22+$0x0 ss:$0x81] =	vst.msk $0xffff, v0;
	s20 =	sadd.s32 s23, s20  }
0x12: {  	v61 =	vld [tilespmem:s21+$0x10];
	[tilespmem:s20+$0x3870 ss:$0x81] =	vst.msk $0xffff, v4  }
0x13: {  	s18 =	sshll.u32 s18, $0x7;
	s27 =	sshll.u32 s16, $0x3;
	v62 =	vld [tilespmem:s21+$0x20];
	s17 =	sshll.u32 s17, $0x15;
	[tilespmem:s20+$0x810 ss:$0x81] =	vst.msk $0xffff, v5  }
0x14: {  	v63 =	vld [tilespmem:s21+$0xFFFFFFC0];
	s30 =	sshrl.u32 s16, $0x3;
	s28 =	sand.u32 $0x1C00, s18;
	s22 =	sand.u32 $0x1C00, s27;
	[tilespmem:s20+$0x1020 ss:$0x81] =	vst.msk $0xffff, v58  }
0x15: {  	s15 =	sshll.u32 s15, $0xA;
	s18 =	sand.u32 $0x380, s18;
	s29 =	sadd.s32 s22, s28;
	[tilespmem:s20+$0x1830 ss:$0x81] =	vst.msk $0xffff, v59  }
0x16: {  	s21 =	sand.u32 $0xF, s30;
	s17 =	sadd.s32 s2, s17;
	s18 =	sor.u32 s18, s29;
	[tilespmem:s20+$0x2040 ss:$0x81] =	vst.msk $0xffff, v60  }
0x17: {  	s31 =	sand.u32 $0x7, s16;
	s17 =	sadd.s32 s21, s17;
	s18 =	sshrl.u32 s18, $0x3;
	[tilespmem:s20+$0x2850 ss:$0x81] =	vst.msk $0xffff, v61  }
0x18: {  	s16 =	sshll.u32 s31, $0x12;
	s15 =	sadd.s32 s15, s17;
	[tilespmem:s20+$0x3060 ss:$0x81] =	vst.msk $0xffff, v62;
	s18 =	sand.u32 $0x3F0, s18  }
0x19: {  	s16 =	sor.u32 $0x80, s16;
	[tilespmem:s20+$0x0 ss:$0x81] =	vst.msk $0xffff, v63;
	s15 =	sadd.s32 s18, s15  }
0x1a: {  	[hbm4b:s15+s16] =	stream.strided.scatter [tilespmem:s19], [sflag:$0x2], $0x4000, s9, s16, $0x20;
	[tilespmem:$0x10100] =	vst v63  }
.LBB1_5:
0x1b: {  	s19 =	sadd.s32 $0x80, s10  }
0x1c: {  	s15 =	sadd.s32 $0x10, s11;
	s20 =	smov.u32 s11;
	p2 =	sgt.s32 s19, $0x7FF  }
0x1d: {  	s20 =	smov.u32 @p2 s15  }
0x1e: {  	s21 =	smov.u32 s12;
	s15 =	sadd.s32 $0x80, s12;
	p3 =	sgt.s32 s20, $0x3F  }
0x1f: {  	s21 =	smov.u32 @p3 s15  }
0x20: {  	s22 =	smov.u32 s13;
	s15 =	sadd.s32 $0x2, s13;
	p4 =	sgt.s32 s21, $0x7F  }
0x21: {  	p1 =	slt.u32 s14, $0x2;
	s22 =	smov.u32 @p4 s15  }
0x22: {  	s18 =	smov.u32 s11;
	s19 =	simm.s32 @p2 $0x0;
	p2 =	sgt.s32 s22, $0x1  }
0x23: {  	s23 =	simm.s32 @!p1 $0x2;
	s22 =	smov.u32 @p2 s3;
	p2 =	sne.s32 s14, s8  }
.Ltmp1:
0x24: {  	s16 =	smov.u32 s12;
	_ =	swait.ge @!p1 [sflag:s23], $0x4000;
	(pc) =	sbr.rel @!p2 .LBB1_6-.Ltmp1, $4  }
0x25: {  	s17 =	smov.u32 s13;
	[sflag:s23] =	ssyncset.done @!p1 $0x0;
	s20 =	smov.u32 @p3 s7  }
0x26: {  	p0 =	por !p0, !p0;
	[sflag:s23] =	ssyncadd.s32 @!p1 $0xFFFFC000;
	s11 =	smov.u32 s20  }
0x27: {  	s21 =	simm.s32 @p4 $0x0;
	s15 =	smov.u32 s10;
	s10 =	smov.u32 s19  }
0x28: {  	s12 =	smov.u32 s21;
	s14 =	sadd.s32 $0x1, s14;
	s13 =	smov.u32 s22  }
.LBB1_1:
0x29: {  	p1 =	sge.u32 s14, s6  }
0x2a: {  	s31 =	sadd.s32 $0xFFFFFFFF, s14;
	s19 =	sxor.u32 @!p1 $0xFFFFFFFF, s14;
	s20 =	sand.u32 @!p1 $0x78, s10  }
0x2b: {  	s21 =	sshll.u32 @!p1 s11, $0x7;
	s22 =	sshll.u32 @!p1 s11, $0xB;
	s23 =	sshll.u32 @!p1 s10, $0x3  }
0x2c: {  	s19 =	sshll.u32 @!p1 s19, $0xE;
	s21 =	sand.u32 @!p1 $0x380, s21;
	s22 =	sand.u32 @!p1 $0x1C000, s22  }
0x2d: {  	s19 =	sand.u32 @!p1 $0x4000, s19;
	s20 =	sor.u32 @!p1 s21, s20;
	s21 =	sand.u32 @!p1 $0x400, s23  }
0x2e: {  	s22 =	sadd.s32 @!p1 s22, s23;
	s20 =	sor.u32 @!p1 s21, s20;
	s21 =	sshll.u32 @!p1 s13, $0x15  }
0x2f: {  	s23 =	sshll.u32 @!p1 s12, $0xE;
	s22 =	sshrl.u32 @!p1 s22, $0x3;
	s21 =	sadd.s32 @!p1 s4, s21  }
0x30: {  	s22 =	sand.u32 @!p1 $0x3F00, s22;
	s21 =	sadd.s32 @!p1 s23, s21;
	s23 =	sand.u32 @!p1 $0x7, s10  }
0x31: {  	s20 =	sshrl.u32 @!p1 s20, $0x3;
	s21 =	sadd.s32 @!p1 s22, s21;
	s22 =	sshll.u32 @!p1 s23, $0x12  }
0x32: {  	s20 =	sadd.s32 @!p1 s20, s21;
	s21 =	sor.u32 @!p1 $0x80, s22;
	s22 =	simm.s32 @!p1 $0x20000  }
0x33: {  	[tilespmem:s19], [sflag:$0x1] =	stream.strided.gather @!p1 [hbm4b:s20+s21], $0x4000, s22, s21, $0x38;
	[tilespmem:$0x10100] =	vst v63  }
0x34: {  	p1 =	sge.u32 s31, s6  }
.Ltmp2:
0x35: {  	_ = 	snop;
	(pc) =	sbr.rel @p1 .LBB1_5-.Ltmp2, $1  }
0x36: {  	_ =	sdelay $0x3  }
0x37: {  	s19 =	simm.s32 $0x1  }
0x38: {  	_ =	swait.ge [sflag:s5], $0x4000;
	s19 =	simm.s32 @!p0 $0x0  }
0x39: {  	[sflag:s5] =	ssyncset.done $0x0;
	s20 =	sshll.u32 s19, $0xE  }
0x3a: {  	[sflag:s5] =	ssyncadd.s32 $0xFFFFC000;
	s21 =	sor.u32 $0x40, s20  }
0x3b: {  	s19 =	smul.u32 $0x10200, s19;
	v0 =	vld [tilespmem:s21+$0x30]  }
0x3c: {  	v3 =	vld [tilespmem:s21+$0xFFFFFFD0]  }
0x3d: {  	s19 =	sshrl.u32 s19, $0x2;
	v4 =	vld [tilespmem:s21+$0xFFFFFFE0]  }
0x3e: {  	v5 =	vld [tilespmem:s21+$0xFFFFFFF0];
	s20 =	sor.u32 $0x8000, s19  }
0x3f: {  	s31 =	sand.u32 $0x1, s14;
	v1 =	vld [tilespmem:s21+$0x0];
	s22 =	sadd.s32 $0x0, s20  }
0x40: {  	v2 =	vld [tilespmem:s21+$0x10];
	s19 =	smul.u32 $0x10200, s31;
	[tilespmem:s22+$0x3870 ss:$0x81] =	vst.msk $0xffff, v0  }
0x41: {  	[tilespmem:s22+$0x810 ss:$0x81] =	vst.msk $0xffff, v3;
	v3 =	vld [tilespmem:s21+$0x20]  }
0x42: {  	s19 =	sshrl.u32 s19, $0x2;
	v0 =	vld [tilespmem:s21+$0xFFFFFFC0];
	[tilespmem:s22+$0x1020 ss:$0x81] =	vst.msk $0xffff, v4;
	s21 =	sadd.s32 $0x80, s21  }
0x43: {  	s23 =	simm.s32 $0x4;
	s24 =	simm.s32 $0x8;
	s19 =	sor.u32 $0x8000, s19;
	[tilespmem:s22+$0x1830 ss:$0x81] =	vst.msk $0xffff, v5;
	v4 =	vld [tilespmem:s21+$0x30]  }
.LBB1_3:
0x44: {  	p1 =	sne.s32 s24, $0x1FC;
	v5 =	vld [tilespmem:s21+$0xFFFFFFD0];
	[tilespmem:s22+$0x2040 ss:$0x81] =	vst.msk $0xffff, v1  }
0x45: {  	v6 =	vld [tilespmem:s21+$0xFFFFFFE0];
	[tilespmem:s22+$0x2850 ss:$0x81] =	vst.msk $0xffff, v2  }
0x46: {  	s25 =	sshra.s32 s23, $0x2;
	s23 =	smov.u32 s24;
	v7 =	vld [tilespmem:s21+$0xFFFFFFF0];
	[tilespmem:s22+$0x3060 ss:$0x81] =	vst.msk $0xffff, v3  }
.Ltmp3:
0x47: {  	v1 =	vld [tilespmem:s21+$0x0];
	[tilespmem:s22+$0x0 ss:$0x81] =	vst.msk $0xffff, v0;
	s22 =	sadd.s32 s25, s20;
	(pc) =	sbr.rel @p1 .LBB1_3-.Ltmp3, $4  }
0x48: {  	v2 =	vld [tilespmem:s21+$0x10];
	[tilespmem:s22+$0x3870 ss:$0x81] =	vst.msk $0xffff, v4  }
0x49: {  	[tilespmem:s22+$0x810 ss:$0x81] =	vst.msk $0xffff, v5;
	v3 =	vld [tilespmem:s21+$0x20]  }
0x4a: {  	v0 =	vld [tilespmem:s21+$0xFFFFFFC0];
	[tilespmem:s22+$0x1020 ss:$0x81] =	vst.msk $0xffff, v6;
	s21 =	sadd.s32 $0x80, s21  }
0x4b: {  	s24 =	sadd.s32 $0x4, s24;
	v4 =	vld [tilespmem:s21+$0x30];
	[tilespmem:s22+$0x1830 ss:$0x81] =	vst.msk $0xffff, v7  }
.Ltmp4:
0x4c: {  	_ = 	snop;
	(pc) =	sbr.rel .LBB1_4-.Ltmp4, $1  }
0x4d: {  	_ =	sdelay $0x3  }
.LBB1_6:
0x4e: {  	_ =	sfence.sel $0x180000  }
0x4f: {  	s2 =	simm.s32 $0x1;
	[bflag:$0x0] =	sbarrier.arrive $0xFFFF  }
0x50: {  	s31 =	simm.s32 $0x2;
	[sflag:s2] =	ssyncpa.u1 $0x1  }
0x51: {  	[sflag:s31] =	ssyncpa.u1 $0x1  }
0x52: {  	p0 =	sne.s32 s1, $0x0;
	_ =	strace $0x90000047  }
0x53: {  	s0 =	sadd.s32 @!p0 $0x100000, s0;
	[bflag:$0x2] =	sbarrier.arrive $0xFFFF  }
0x54: {  	[sflag:s0] =	ssyncadd.tile.s32 @!p0 $0x1;
	_ =	shalt  }
.Lfunc_end1:
_tile_overlayer_lowered:
.L_overlay_start_2:
0x55: {  	(tag) =	ssettag $0x2  }
0x56: {  	s0 =	rddreg [dreg:$0x0];
	s2 =	stileid.u32  }
0x57: {  	s1 =	rddreg [dreg:$0x1];
	p0 =	sne.s32 s2, $0x0  }
0x58: {  	s3 =	rddreg [dreg:$0x2];
	[bflag:$0x3] =	sbarrier.arrive $0xFFFF;
	s2 =	simm.s32 @!p0 $0x1C01  }
0x59: {  	[timem:s3], [sflag:s2] =	dma.local @!p0 [hbm:s0], s1  }
0x5a: {  	s0 =	simm.s32 @!p0 $0x1  }
0x5b: {  	_ =	swait.ge @!p0 [sflag:s0], s1  }
0x5c: {  	s1 =	ssub.s32 @!p0 $0x0, s1;
	[sflag:s0] =	ssyncset.done @!p0 $0x0  }
0x5d: {  	[sflag:s0] =	ssyncadd.s32 @!p0 s1  }
0x5e: {  	[bflag:$0x3] =	sbarrier.arrive $0xFFFF  }
0x5f: {  	_ =	shalt  }

</sc_bundles>
